<compile_context>
chip_gen: v7x
topology: tpu7x:2x2x1
jax: 0.10.2.dev20260603
libtpu: 0.0.44.dev20260713+nightly
codegen_flags: <defaults>
</compile_context>

<pallas_src>
import functools

import jax
import jax.numpy as jnp
from jax import lax
from jax.experimental import pallas as pl
from jax.experimental.pallas import tpu as pltpu
from jax.experimental.pallas import tpu_sc as plsc

B = 16384
D = 128
NC = 2
NS = 16
NW = NC * NS
BT = 2 * B
BPW = BT // NW
CH = 512

BB = 8192
NB = B // BB


def _gather_body(table_hbm, idx_hbm, out_hbm, idx_v, rows_v, sem):
    wid = lax.axis_index("s") * NC + lax.axis_index("c")
    base = wid * BPW
    pltpu.sync_copy(idx_hbm.at[pl.ds(base, BPW)], idx_v)
    for c in range(BPW // CH):
        pltpu.async_copy(
            table_hbm.at[idx_v.at[pl.ds(c * CH, CH)]], rows_v, sem
        ).wait()
        pltpu.sync_copy(rows_v, out_hbm.at[pl.ds(base + c * CH, CH)])


def _sc_gather(table, idx):
    mesh = plsc.VectorSubcoreMesh(core_axis_name="c", subcore_axis_name="s")
    k = functools.partial(
        pl.kernel,
        mesh=mesh,
        out_type=jax.ShapeDtypeStruct((BT, D), jnp.float32),
        scratch_types=[
            pltpu.VMEM((BPW,), jnp.int32),
            pltpu.VMEM((CH, D), jnp.float32),
            pltpu.SemaphoreType.DMA,
        ],
    )(_gather_body)
    return k(table, idx)


def _mlp_body(x_ref, y_ref, w1at, w1bt, b1c, w2t, b2c, w3t, b3c, w4t, b4c, o_ref):
    f32 = jnp.float32
    nt = (((1,), (1,)), ((), ()))
    nn = (((1,), (0,)), ((), ()))
    h = lax.dot_general(w1at[...], x_ref[...], nt, preferred_element_type=f32)
    h += lax.dot_general(w1bt[...], y_ref[...], nt, preferred_element_type=f32)
    h = jnp.maximum(h + b1c[...], 0.0)
    h = lax.dot_general(w2t[...], h, nn, preferred_element_type=f32)
    h = jnp.maximum(h + b2c[...], 0.0)
    h = lax.dot_general(w3t[...], h, nn, preferred_element_type=f32)
    h = jnp.maximum(h + b3c[...], 0.0)
    o = lax.dot_general(w4t[...], h, nn, preferred_element_type=f32) + b4c[...]
    o_ref[...] = 1.0 / (1.0 + jnp.exp(-o))


def _tc_mlp(rows, W1, b1, W2, b2, W3, b3, W4, b4):
    full = lambda shape: pl.BlockSpec(shape, lambda i: (0,) * len(shape))
    out = pl.pallas_call(
        _mlp_body,
        grid=(NB,),
        in_specs=[
            pl.BlockSpec((BB, D), lambda i: (i, 0)),
            pl.BlockSpec((BB, D), lambda i: (i + NB, 0)),
            full((D, D)), full((D, D)), full((D, 1)),
            full((64, 128)), full((64, 1)),
            full((32, 64)), full((32, 1)),
            full((1, 32)), full((1, 1)),
        ],
        out_specs=pl.BlockSpec((1, BB), lambda i: (0, i)),
        out_shape=jax.ShapeDtypeStruct((1, B), jnp.float32),
    )(rows, rows, W1[:D].T, W1[D:].T, b1.reshape(-1, 1),
      W2.T, b2.reshape(-1, 1), W3.T, b3.reshape(-1, 1),
      W4.T, b4.reshape(-1, 1))
    return out.reshape(B)


def kernel(user_input, item_input, user_emb, W1, b1, W2, b2, W3, b3, W4, b4):
    idx = jnp.concatenate([user_input, item_input]).astype(jnp.int32)
    rows = _sc_gather(user_emb, idx)
    return _tc_mlp(rows, W1, b1, W2, b2, W3, b3, W4, b4)

# --- scband reference (transcript-rebuilt; emitter-appended) ---
"""Pipeline reference for scband-neural-collaborative-filter-17557826306234 (READ-ONLY COPY).

The authoritative reference and input builder live on the scoring server;
editing this copy changes nothing except your own understanding.
"""

import jax, jax.numpy as jnp
import numpy as np

B = 16384
V = 1000000
D = 128

def setup_inputs(seed: int = 0) -> dict:
    key = jax.random.key(seed)
    ks = jax.random.split(key, 12)
    user_input = jax.random.randint(ks[0], (B,), 0, V)
    item_input = jax.random.randint(ks[1], (B,), 0, V)
    user_emb = jax.random.normal(ks[2], (V, D), dtype=jnp.float32) * 0.05
    W1 = jax.random.normal(ks[3], (2 * D, 128), dtype=jnp.float32) * 0.05
    b1 = jnp.zeros((128,), dtype=jnp.float32)
    W2 = jax.random.normal(ks[4], (128, 64), dtype=jnp.float32) * 0.05
    b2 = jnp.zeros((64,), dtype=jnp.float32)
    W3 = jax.random.normal(ks[5], (64, 32), dtype=jnp.float32) * 0.05
    b3 = jnp.zeros((32,), dtype=jnp.float32)
    W4 = jax.random.normal(ks[6], (32, 1), dtype=jnp.float32) * 0.05
    b4 = jnp.zeros((1,), dtype=jnp.float32)
    return {"user_input": user_input, "item_input": item_input, "user_emb": user_emb,
            "W1": W1, "b1": b1, "W2": W2, "b2": b2, "W3": W3, "b3": b3, "W4": W4, "b4": b4}

def reference(user_input, item_input, user_emb, W1, b1, W2, b2, W3, b3, W4, b4):
    # Faithful to the original module: BOTH lookups use user_embedding (per the source code).
    x = jnp.take(user_emb, user_input, axis=0)
    y = jnp.take(user_emb, item_input, axis=0)
    v = jnp.concatenate([x, y], axis=1)
    h = jax.nn.relu(v @ W1 + b1)
    h = jax.nn.relu(h @ W2 + b2)
    h = jax.nn.relu(h @ W3 + b3)
    out = jax.nn.sigmoid(h @ W4 + b4)
    return jnp.squeeze(out)

if __name__ == "__main__":
    import jax
    _d = setup_inputs()
    print(jax.jit(kernel)(*tuple(_d.values())))

</pallas_src>

<mosaic_0001>
#map = affine_map<(d0, d1) -> (0, 0)>
#map1 = affine_map<(d0, d1) -> (0)>
module attributes {stable_mosaic.version = 14 : i64} {
  func.func @_gather_body(%arg0: i32, %arg1: i32, %arg2: memref<1000000x128xf32, #tpu.memory_space<hbm>>, %arg3: memref<32768xi32, #tpu.memory_space<hbm>>, %arg4: memref<32768x128xf32, #tpu.memory_space<hbm>>, %arg5: memref<1024xi32, #tpu.memory_space<vmem>>, %arg6: memref<512x128xf32, #tpu.memory_space<vmem>>, %arg7: memref<!tpu.dma_semaphore, #tpu.memory_space<semaphore_mem>>) attributes {dimension_semantics = [#tpu.dimension_semantics<core_parallel>, #tpu.dimension_semantics<subcore_parallel>], iteration_bounds = array<i64: 2, 16>, scalar_prefetch = 0 : i64, scratch_operands = 3 : i64, tpu.core_type = #tpu.core_type<sc_vector_subcore>, window_params = [{transform_indices = #map}, {transform_indices = #map1}, {transform_indices = #map}]} {
    %mul3A = arith.constant 2 : i32
    %mul3A_0 = arith.muli %arg1, %mul3A : i32
    %add3A = arith.addi %mul3A_0, %arg0 : i32
    %mul3A_1 = arith.constant 1024 : i32
    %mul3A_2 = arith.muli %add3A, %mul3A_1 : i32
    "tpu.region"() ({
      %run_scoped3A = tpu.sem_alloc : memref<!tpu.dma_semaphore, #tpu.memory_space<semaphore_mem>>
      %dma_start3A_25 = tpu.memref_slice %arg3[%mul3A_2] : memref<32768xi32, #tpu.memory_space<hbm>> -> memref<1024xi32, #tpu.memory_space<hbm>>
      %dma_start3A_26 = tpu.memref_slice %arg3[%mul3A_2] : memref<32768xi32, #tpu.memory_space<hbm>> -> memref<1024xi32, #tpu.memory_space<hbm>>
      tpu.enqueue_dma source(%dma_start3A_26 : memref<1024xi32, #tpu.memory_space<hbm>>) target(%arg5 : memref<1024xi32, #tpu.memory_space<vmem>>) target_semaphore(%run_scoped3A : memref<!tpu.dma_semaphore, #tpu.memory_space<semaphore_mem>>)
      %dma_wait3A_27 = tpu.memref_slice %arg3[%mul3A_2] : memref<32768xi32, #tpu.memory_space<hbm>> -> memref<1024xi32, #tpu.memory_space<hbm>>
      %dma_wait3A_28 = tpu.memref_slice %arg3[%mul3A_2] : memref<32768xi32, #tpu.memory_space<hbm>> -> memref<1024xi32, #tpu.memory_space<hbm>>
      tpu.wait_dma2 semaphore(%run_scoped3A : memref<!tpu.dma_semaphore, #tpu.memory_space<semaphore_mem>>) src(%dma_wait3A_28 : memref<1024xi32, #tpu.memory_space<hbm>>) dst(%arg5 : memref<1024xi32, #tpu.memory_space<vmem>>)
      tpu.yield
    }) : () -> ()
    %dma_start3A = arith.constant 0 : i32
    %dma_start3A_3 = tpu.memref_slice %arg5[%dma_start3A] : memref<1024xi32, #tpu.memory_space<vmem>> -> memref<512xi32, #tpu.memory_space<vmem>>
    %dma_start3A_4 = arith.constant 0 : i32
    %dma_start3A_5 = arith.constant 0 : i32
    %dma_start3A_6 = tpu.memref_slice %arg2[%dma_start3A_4, %dma_start3A_5] : memref<1000000x128xf32, #tpu.memory_space<hbm>> -> memref<1000000x128xf32, #tpu.memory_space<hbm>>
    tpu.enqueue_indirect_dma source(%dma_start3A_6 : memref<1000000x128xf32, #tpu.memory_space<hbm>>) target(%arg6 : memref<512x128xf32, #tpu.memory_space<vmem>>) offsets(%dma_start3A_3 : memref<512xi32, #tpu.memory_space<vmem>>) semaphore(%arg7 : memref<!tpu.dma_semaphore, #tpu.memory_space<semaphore_mem>>)
    %dma_wait3A = arith.constant 0 : i32
    %dma_wait3A_7 = tpu.memref_slice %arg5[%dma_wait3A] : memref<1024xi32, #tpu.memory_space<vmem>> -> memref<512xi32, #tpu.memory_space<vmem>>
    %dma_wait3A_8 = arith.constant 0 : i32
    %dma_wait3A_9 = arith.constant 0 : i32
    %dma_wait3A_10 = tpu.memref_slice %arg2[%dma_wait3A_8, %dma_wait3A_9] : memref<1000000x128xf32, #tpu.memory_space<hbm>> -> memref<1000000x128xf32, #tpu.memory_space<hbm>>
    tpu.wait_indirect_dma semaphore(%arg7 : memref<!tpu.dma_semaphore, #tpu.memory_space<semaphore_mem>>) src(%dma_wait3A_10 : memref<1000000x128xf32, #tpu.memory_space<hbm>>) dst(%arg6 : memref<512x128xf32, #tpu.memory_space<vmem>>)
    %add3A_11 = arith.constant 0 : i32
    %add3A_12 = arith.addi %mul3A_2, %add3A_11 : i32
    "tpu.region"() ({
      %run_scoped3A = tpu.sem_alloc : memref<!tpu.dma_semaphore, #tpu.memory_space<semaphore_mem>>
      %dma_start3A_25 = arith.constant 0 : i32
      %dma_start3A_26 = tpu.memref_slice %arg4[%add3A_12, %dma_start3A_25] : memref<32768x128xf32, #tpu.memory_space<hbm>> -> memref<512x128xf32, #tpu.memory_space<hbm>>
      %dma_start3A_27 = arith.constant 0 : i32
      %dma_start3A_28 = tpu.memref_slice %arg4[%add3A_12, %dma_start3A_27] : memref<32768x128xf32, #tpu.memory_space<hbm>> -> memref<512x128xf32, #tpu.memory_space<hbm>>
      tpu.enqueue_dma source(%arg6 : memref<512x128xf32, #tpu.memory_space<vmem>>) target(%dma_start3A_28 : memref<512x128xf32, #tpu.memory_space<hbm>>) target_semaphore(%run_scoped3A : memref<!tpu.dma_semaphore, #tpu.memory_space<semaphore_mem>>)
      %dma_wait3A_29 = arith.constant 0 : i32
      %dma_wait3A_30 = tpu.memref_slice %arg4[%add3A_12, %dma_wait3A_29] : memref<32768x128xf32, #tpu.memory_space<hbm>> -> memref<512x128xf32, #tpu.memory_space<hbm>>
      %dma_wait3A_31 = arith.constant 0 : i32
      %dma_wait3A_32 = tpu.memref_slice %arg4[%add3A_12, %dma_wait3A_31] : memref<32768x128xf32, #tpu.memory_space<hbm>> -> memref<512x128xf32, #tpu.memory_space<hbm>>
      tpu.wait_dma2 semaphore(%run_scoped3A : memref<!tpu.dma_semaphore, #tpu.memory_space<semaphore_mem>>) src(%arg6 : memref<512x128xf32, #tpu.memory_space<vmem>>) dst(%dma_wait3A_32 : memref<512x128xf32, #tpu.memory_space<hbm>>)
      tpu.yield
    }) : () -> ()
    %dma_start3A_13 = arith.constant 512 : i32
    %dma_start3A_14 = tpu.memref_slice %arg5[%dma_start3A_13] : memref<1024xi32, #tpu.memory_space<vmem>> -> memref<512xi32, #tpu.memory_space<vmem>>
    %dma_start3A_15 = arith.constant 0 : i32
    %dma_start3A_16 = arith.constant 0 : i32
    %dma_start3A_17 = tpu.memref_slice %arg2[%dma_start3A_15, %dma_start3A_16] : memref<1000000x128xf32, #tpu.memory_space<hbm>> -> memref<1000000x128xf32, #tpu.memory_space<hbm>>
    tpu.enqueue_indirect_dma source(%dma_start3A_17 : memref<1000000x128xf32, #tpu.memory_space<hbm>>) target(%arg6 : memref<512x128xf32, #tpu.memory_space<vmem>>) offsets(%dma_start3A_14 : memref<512xi32, #tpu.memory_space<vmem>>) semaphore(%arg7 : memref<!tpu.dma_semaphore, #tpu.memory_space<semaphore_mem>>)
    %dma_wait3A_18 = arith.constant 512 : i32
    %dma_wait3A_19 = tpu.memref_slice %arg5[%dma_wait3A_18] : memref<1024xi32, #tpu.memory_space<vmem>> -> memref<512xi32, #tpu.memory_space<vmem>>
    %dma_wait3A_20 = arith.constant 0 : i32
    %dma_wait3A_21 = arith.constant 0 : i32
    %dma_wait3A_22 = tpu.memref_slice %arg2[%dma_wait3A_20, %dma_wait3A_21] : memref<1000000x128xf32, #tpu.memory_space<hbm>> -> memref<1000000x128xf32, #tpu.memory_space<hbm>>
    tpu.wait_indirect_dma semaphore(%arg7 : memref<!tpu.dma_semaphore, #tpu.memory_space<semaphore_mem>>) src(%dma_wait3A_22 : memref<1000000x128xf32, #tpu.memory_space<hbm>>) dst(%arg6 : memref<512x128xf32, #tpu.memory_space<vmem>>)
    %add3A_23 = arith.constant 512 : i32
    %add3A_24 = arith.addi %mul3A_2, %add3A_23 : i32
    "tpu.region"() ({
      %run_scoped3A = tpu.sem_alloc : memref<!tpu.dma_semaphore, #tpu.memory_space<semaphore_mem>>
      %dma_start3A_25 = arith.constant 0 : i32
      %dma_start3A_26 = tpu.memref_slice %arg4[%add3A_24, %dma_start3A_25] : memref<32768x128xf32, #tpu.memory_space<hbm>> -> memref<512x128xf32, #tpu.memory_space<hbm>>
      %dma_start3A_27 = arith.constant 0 : i32
      %dma_start3A_28 = tpu.memref_slice %arg4[%add3A_24, %dma_start3A_27] : memref<32768x128xf32, #tpu.memory_space<hbm>> -> memref<512x128xf32, #tpu.memory_space<hbm>>
      tpu.enqueue_dma source(%arg6 : memref<512x128xf32, #tpu.memory_space<vmem>>) target(%dma_start3A_28 : memref<512x128xf32, #tpu.memory_space<hbm>>) target_semaphore(%run_scoped3A : memref<!tpu.dma_semaphore, #tpu.memory_space<semaphore_mem>>)
      %dma_wait3A_29 = arith.constant 0 : i32
      %dma_wait3A_30 = tpu.memref_slice %arg4[%add3A_24, %dma_wait3A_29] : memref<32768x128xf32, #tpu.memory_space<hbm>> -> memref<512x128xf32, #tpu.memory_space<hbm>>
      %dma_wait3A_31 = arith.constant 0 : i32
      %dma_wait3A_32 = tpu.memref_slice %arg4[%add3A_24, %dma_wait3A_31] : memref<32768x128xf32, #tpu.memory_space<hbm>> -> memref<512x128xf32, #tpu.memory_space<hbm>>
      tpu.wait_dma2 semaphore(%run_scoped3A : memref<!tpu.dma_semaphore, #tpu.memory_space<semaphore_mem>>) src(%arg6 : memref<512x128xf32, #tpu.memory_space<vmem>>) dst(%dma_wait3A_32 : memref<512x128xf32, #tpu.memory_space<hbm>>)
      tpu.yield
    }) : () -> ()
    return
  }
}

module attributes {stable_mosaic.version = 14 : i64} {
  func.func @_mlp_body(%arg0: i32, %arg1: memref<8192x128xf32, #tpu.memory_space<vmem>>, %arg2: memref<8192x128xf32, #tpu.memory_space<vmem>>, %arg3: memref<128x128xf32, #tpu.memory_space<vmem>>, %arg4: memref<128x128xf32, #tpu.memory_space<vmem>>, %arg5: memref<128x1xf32, #tpu.memory_space<vmem>>, %arg6: memref<64x128xf32, #tpu.memory_space<vmem>>, %arg7: memref<64x1xf32, #tpu.memory_space<vmem>>, %arg8: memref<32x64xf32, #tpu.memory_space<vmem>>, %arg9: memref<32x1xf32, #tpu.memory_space<vmem>>, %arg10: memref<1x32xf32, #tpu.memory_space<vmem>>, %arg11: memref<1x1xf32, #tpu.memory_space<vmem>>, %arg12: memref<1x8192xf32, #tpu.memory_space<vmem>>) attributes {dimension_semantics = [#tpu.dimension_semantics<arbitrary>], iteration_bounds = array<i64: 2>, scalar_prefetch = 0 : i64, scratch_operands = 0 : i64, tpu.core_type = #tpu.core_type<tc>, window_params = [{transform_indices = @transform_0, window_bounds = array<i64: 8192, 128>}, {transform_indices = @transform_1, window_bounds = array<i64: 8192, 128>}, {pipeline_mode = #tpu.pipeline_mode<synchronous>, transform_indices = @transform_2, window_bounds = array<i64: 128, 128>}, {pipeline_mode = #tpu.pipeline_mode<synchronous>, transform_indices = @transform_3, window_bounds = array<i64: 128, 128>}, {pipeline_mode = #tpu.pipeline_mode<synchronous>, transform_indices = @transform_4, window_bounds = array<i64: 128, 1>}, {pipeline_mode = #tpu.pipeline_mode<synchronous>, transform_indices = @transform_5, window_bounds = array<i64: 64, 128>}, {pipeline_mode = #tpu.pipeline_mode<synchronous>, transform_indices = @transform_6, window_bounds = array<i64: 64, 1>}, {pipeline_mode = #tpu.pipeline_mode<synchronous>, transform_indices = @transform_7, window_bounds = array<i64: 32, 64>}, {pipeline_mode = #tpu.pipeline_mode<synchronous>, transform_indices = @transform_8, window_bounds = array<i64: 32, 1>}, {pipeline_mode = #tpu.pipeline_mode<synchronous>, transform_indices = @transform_9, window_bounds = array<i64: 1, 32>}, {pipeline_mode = #tpu.pipeline_mode<synchronous>, transform_indices = @transform_10, window_bounds = array<i64: 1, 1>}, {transform_indices = @transform_11, window_bounds = array<i64: 1, 8192>}]} {
    %get3A = arith.constant 0 : index
    %get3A_0 = arith.constant 0 : index
    %get3A_1 = vector.load %arg3[%get3A, %get3A_0] : memref<128x128xf32, #tpu.memory_space<vmem>>, vector<128x128xf32>
    %get3A_2 = arith.constant 0 : index
    %get3A_3 = arith.constant 0 : index
    %get3A_4 = vector.load %arg1[%get3A_2, %get3A_3] : memref<8192x128xf32, #tpu.memory_space<vmem>>, vector<8192x128xf32>
    %dot_general3A = arith.constant dense<0.000000e+00> : vector<128x8192xf32>
    %dot_general3A_5 = tpu.matmul %get3A_1, %get3A_4, %dot_general3A {dimension_numbers = #tpu.dot_dimension_numbers<[1], [1], [0], [0], [0, 0, 1, 0], [], []>, transpose_lhs_hint = false} : vector<128x128xf32>, vector<8192x128xf32>, vector<128x8192xf32> -> vector<128x8192xf32>
    %get3A_6 = arith.constant 0 : index
    %get3A_7 = arith.constant 0 : index
    %get3A_8 = vector.load %arg4[%get3A_6, %get3A_7] : memref<128x128xf32, #tpu.memory_space<vmem>>, vector<128x128xf32>
    %get3A_9 = arith.constant 0 : index
    %get3A_10 = arith.constant 0 : index
    %get3A_11 = vector.load %arg2[%get3A_9, %get3A_10] : memref<8192x128xf32, #tpu.memory_space<vmem>>, vector<8192x128xf32>
    %dot_general3A_12 = arith.constant dense<0.000000e+00> : vector<128x8192xf32>
    %dot_general3A_13 = tpu.matmul %get3A_8, %get3A_11, %dot_general3A_12 {dimension_numbers = #tpu.dot_dimension_numbers<[1], [1], [0], [0], [0, 0, 1, 0], [], []>, transpose_lhs_hint = false} : vector<128x128xf32>, vector<8192x128xf32>, vector<128x8192xf32> -> vector<128x8192xf32>
    %add3A = arith.addf %dot_general3A_5, %dot_general3A_13 : vector<128x8192xf32>
    %get3A_14 = arith.constant 0 : index
    %get3A_15 = arith.constant 0 : index
    %get3A_16 = vector.load %arg5[%get3A_14, %get3A_15] : memref<128x1xf32, #tpu.memory_space<vmem>>, vector<128x1xf32>
    %add3A_17 = vector.broadcast %get3A_16 : vector<128x1xf32> to vector<128x8192xf32>
    %add3A_18 = arith.addf %add3A, %add3A_17 : vector<128x8192xf32>
    %max3A = arith.constant 0.000000e+00 : f32
    %max3A_19 = vector.broadcast %max3A : f32 to vector<128x8192xf32>
    %max3A_20 = arith.maximumf %add3A_18, %max3A_19 : vector<128x8192xf32>
    %get3A_21 = arith.constant 0 : index
    %get3A_22 = arith.constant 0 : index
    %get3A_23 = vector.load %arg6[%get3A_21, %get3A_22] : memref<64x128xf32, #tpu.memory_space<vmem>>, vector<64x128xf32>
    %dot_general3A_24 = arith.constant dense<0.000000e+00> : vector<64x8192xf32>
    %dot_general3A_25 = tpu.matmul %get3A_23, %max3A_20, %dot_general3A_24 {dimension_numbers = #tpu.dot_dimension_numbers<[1], [0], [0], [1], [0, 0, 1, 1], [], []>, transpose_lhs_hint = false} : vector<64x128xf32>, vector<128x8192xf32>, vector<64x8192xf32> -> vector<64x8192xf32>
    %get3A_26 = arith.constant 0 : index
    %get3A_27 = arith.constant 0 : index
    %get3A_28 = vector.load %arg7[%get3A_26, %get3A_27] : memref<64x1xf32, #tpu.memory_space<vmem>>, vector<64x1xf32>
    %add3A_29 = vector.broadcast %get3A_28 : vector<64x1xf32> to vector<64x8192xf32>
    %add3A_30 = arith.addf %dot_general3A_25, %add3A_29 : vector<64x8192xf32>
    %max3A_31 = arith.constant 0.000000e+00 : f32
    %max3A_32 = vector.broadcast %max3A_31 : f32 to vector<64x8192xf32>
    %max3A_33 = arith.maximumf %add3A_30, %max3A_32 : vector<64x8192xf32>
    %get3A_34 = arith.constant 0 : index
    %get3A_35 = arith.constant 0 : index
    %get3A_36 = vector.load %arg8[%get3A_34, %get3A_35] : memref<32x64xf32, #tpu.memory_space<vmem>>, vector<32x64xf32>
    %dot_general3A_37 = arith.constant dense<0.000000e+00> : vector<32x8192xf32>
    %dot_general3A_38 = tpu.matmul %get3A_36, %max3A_33, %dot_general3A_37 {dimension_numbers = #tpu.dot_dimension_numbers<[1], [0], [0], [1], [0, 0, 1, 1], [], []>, transpose_lhs_hint = false} : vector<32x64xf32>, vector<64x8192xf32>, vector<32x8192xf32> -> vector<32x8192xf32>
    %get3A_39 = arith.constant 0 : index
    %get3A_40 = arith.constant 0 : index
    %get3A_41 = vector.load %arg9[%get3A_39, %get3A_40] : memref<32x1xf32, #tpu.memory_space<vmem>>, vector<32x1xf32>
    %add3A_42 = vector.broadcast %get3A_41 : vector<32x1xf32> to vector<32x8192xf32>
    %add3A_43 = arith.addf %dot_general3A_38, %add3A_42 : vector<32x8192xf32>
    %max3A_44 = arith.constant 0.000000e+00 : f32
    %max3A_45 = vector.broadcast %max3A_44 : f32 to vector<32x8192xf32>
    %max3A_46 = arith.maximumf %add3A_43, %max3A_45 : vector<32x8192xf32>
    %get3A_47 = arith.constant 0 : index
    %get3A_48 = arith.constant 0 : index
    %get3A_49 = vector.load %arg10[%get3A_47, %get3A_48] : memref<1x32xf32, #tpu.memory_space<vmem>>, vector<1x32xf32>
    %dot_general3A_50 = arith.constant dense<0.000000e+00> : vector<1x8192xf32>
    %dot_general3A_51 = tpu.matmul %get3A_49, %max3A_46, %dot_general3A_50 {dimension_numbers = #tpu.dot_dimension_numbers<[1], [0], [0], [1], [0, 0, 1, 1], [], []>, transpose_lhs_hint = false} : vector<1x32xf32>, vector<32x8192xf32>, vector<1x8192xf32> -> vector<1x8192xf32>
    %get3A_52 = arith.constant 0 : index
    %get3A_53 = arith.constant 0 : index
    %get3A_54 = vector.load %arg11[%get3A_52, %get3A_53] : memref<1x1xf32, #tpu.memory_space<vmem>>, vector<1x1xf32>
    %add3A_55 = vector.broadcast %get3A_54 : vector<1x1xf32> to vector<1x8192xf32>
    %add3A_56 = arith.addf %dot_general3A_51, %add3A_55 : vector<1x8192xf32>
    %neg3A = arith.constant 0.000000e+00 : f32
    %neg3A_57 = vector.broadcast %neg3A : f32 to vector<1x8192xf32>
    %neg3A_58 = arith.subf %neg3A_57, %add3A_56 : vector<1x8192xf32>
    %exp3A = math.exp %neg3A_58 : vector<1x8192xf32>
    %add3A_59 = arith.constant 1.000000e+00 : f32
    %add3A_60 = vector.broadcast %add3A_59 : f32 to vector<1x8192xf32>
    %add3A_61 = arith.addf %add3A_60, %exp3A : vector<1x8192xf32>
    %div3A = arith.constant 1.000000e+00 : f32
    %div3A_62 = vector.broadcast %div3A : f32 to vector<1x8192xf32>
    %div3A_63 = arith.divf %div3A_62, %add3A_61 : vector<1x8192xf32>
    %swap3A = arith.constant 0 : index
    %swap3A_64 = arith.constant 0 : index
    %swap3A_65 = vector.load %arg12[%swap3A, %swap3A_64] : memref<1x8192xf32, #tpu.memory_space<vmem>>, vector<1x8192xf32>
    tpu.vector_store %arg12[%swap3A, %swap3A_64], %div3A_63 {strides = array<i32>} : memref<1x8192xf32, #tpu.memory_space<vmem>>, vector<1x8192xf32>,
    return
  }
  func.func @transform_0(%arg0: i32) -> (i32, i32) {
    %c0_i32 = arith.constant 0 : i32
    %c0_i32_0 = arith.constant 0 : i32
    return %arg0, %c0_i32 : i32, i32
  }
  func.func @transform_1(%arg0: i32) -> (i32, i32) {
    %add3A = arith.constant 2 : i32
    %add3A_0 = arith.addi %arg0, %add3A : i32
    %c0_i32 = arith.constant 0 : i32
    %c0_i32_1 = arith.constant 0 : i32
    return %add3A_0, %c0_i32 : i32, i32
  }
  func.func @transform_2(%arg0: i32) -> (i32, i32) {
    %c0_i32 = arith.constant 0 : i32
    %c0_i32_0 = arith.constant 0 : i32
    %c0_i32_1 = arith.constant 0 : i32
    return %c0_i32, %c0_i32_0 : i32, i32
  }
  func.func @transform_3(%arg0: i32) -> (i32, i32) {
    %c0_i32 = arith.constant 0 : i32
    %c0_i32_0 = arith.constant 0 : i32
    %c0_i32_1 = arith.constant 0 : i32
    return %c0_i32, %c0_i32_0 : i32, i32
  }
  func.func @transform_4(%arg0: i32) -> (i32, i32) {
    %c0_i32 = arith.constant 0 : i32
    %c0_i32_0 = arith.constant 0 : i32
    %c0_i32_1 = arith.constant 0 : i32
    return %c0_i32, %c0_i32_0 : i32, i32
  }
  func.func @transform_5(%arg0: i32) -> (i32, i32) {
    %c0_i32 = arith.constant 0 : i32
    %c0_i32_0 = arith.constant 0 : i32
    %c0_i32_1 = arith.constant 0 : i32
    return %c0_i32, %c0_i32_0 : i32, i32
  }
  func.func @transform_6(%arg0: i32) -> (i32, i32) {
    %c0_i32 = arith.constant 0 : i32
    %c0_i32_0 = arith.constant 0 : i32
    %c0_i32_1 = arith.constant 0 : i32
    return %c0_i32, %c0_i32_0 : i32, i32
  }
  func.func @transform_7(%arg0: i32) -> (i32, i32) {
    %c0_i32 = arith.constant 0 : i32
    %c0_i32_0 = arith.constant 0 : i32
    %c0_i32_1 = arith.constant 0 : i32
    return %c0_i32, %c0_i32_0 : i32, i32
  }
  func.func @transform_8(%arg0: i32) -> (i32, i32) {
    %c0_i32 = arith.constant 0 : i32
    %c0_i32_0 = arith.constant 0 : i32
    %c0_i32_1 = arith.constant 0 : i32
    return %c0_i32, %c0_i32_0 : i32, i32
  }
  func.func @transform_9(%arg0: i32) -> (i32, i32) {
    %c0_i32 = arith.constant 0 : i32
    %c0_i32_0 = arith.constant 0 : i32
    %c0_i32_1 = arith.constant 0 : i32
    return %c0_i32, %c0_i32_0 : i32, i32
  }
  func.func @transform_10(%arg0: i32) -> (i32, i32) {
    %c0_i32 = arith.constant 0 : i32
    %c0_i32_0 = arith.constant 0 : i32
    %c0_i32_1 = arith.constant 0 : i32
    return %c0_i32, %c0_i32_0 : i32, i32
  }
  func.func @transform_11(%arg0: i32) -> (i32, i32) {
    %c0_i32 = arith.constant 0 : i32
    %c0_i32_0 = arith.constant 0 : i32
    return %c0_i32, %arg0 : i32, i32
  }
}

</mosaic_0001>

<sc_bundles>
// kernel: kernel.4.cloned.1.call-start
scs
__scs_entry_jumppad:
0x0: {  	(pc) =	sbr.rel $0x88, $3  }
0x1: {  	(tag) =	ssettag $0x0;
	lr =	simm.s32 $0x1  }
0x2: {  	[smem:$0x3F96] =	sst lr;
	_ =	strace $0xD0000000  }
0x3: {  	_ = 	snop  }
0x4: {  	_ = 	snop  }
0x5: {  	_ = 	snop  }
0x6: {  	_ = 	snop  }
0x7: {  	_ = 	snop  }
__scs_overlays_trampoline_lowered:
0x8: {  	[smem:$0x3FA5] =	sst s0  }
0x9: {  	[smem:$0x3FA6] =	sst s1  }
0xa: {  	[smem:$0x3FA7] =	sst s2  }
0xb: {  	[smem:$0x3FA8] =	sst s3  }
0xc: {  	[smem:$0x3FA9] =	sst s4  }
0xd: {  	[smem:$0x3FAA] =	sst s5  }
0xe: {  	[smem:$0x3FAB] =	sst s6  }
0xf: {  	[smem:$0x3FAC] =	sst s7  }
0x10: {  	[smem:$0x3FAD] =	sst s8  }
0x11: {  	[smem:$0x3FAE] =	sst s9;
	s0 =	simm.s32 @!p0 $0x0  }
0x12: {  	s1 =	sld [smem:$0x3F94];
	s0 =	simm.s32 @p0 $0x1  }
0x13: {  	[smem:$0x3FAF] =	sst s0;
	s0 =	simm.s32 @!p1 $0x0  }
0x14: {  	s2 =	sld [smem:$0x3F93];
	s0 =	simm.s32 @p1 $0x1  }
0x15: {  	[smem:$0x3FB0] =	sst s0;
	s0 =	simm.s32 @!p2 $0x0  }
0x16: {  	s3 =	sld [smem:$0x3FDB];
	s0 =	simm.s32 @p2 $0x1  }
0x17: {  	s4 =	simm.s32 $0x1BF5;
	[smem:$0x3FB2] =	sst s0  }
0x18: {  	s0 =	sld [smem:$0x3F95];
	_ =	swait.ge [sflag:s4], $0x0  }
0x19: {  	s7 =	sld [smem:$0x3F96]  }
0x1a: {  	s8 =	sadd.s32 $0xFFFFE003, lr  }
0x1b: {  	s9 =	sadd.s32 $0xFFFFFEF7, lr;
	s5 =	simm.s32 $0xFFFFFFFF;
	p2 =	slt.u32 s8, $0xFFFFF086  }
0x1c: {  	p1 =	slt.u32 s9, $0xF7A;
	s5 =	simm.s32 @!p2 $0x0  }
0x1d: {  	s5 =	simm.s32 @p1 $0x1;
	p0 =	seq.s32 s7, s2  }
0x1e: {  	s7 =	smul.u32 @!p0 $0xF7A, s2;
	p2 =	seq.s32 @!p0 s5, $0x0  }
0x1f: {  	s9 =	smul.u32 $0xF7A, s1;
	s8 =	simm.s32 @!p0 $0x1BF5;
	p2 =	por !p2, p0  }
0x20: {  	[sflag:s8] =	ssyncset.s32 @!p0 $0xFFFFF086;
	s6 =	sadd.s32 @!p0 s3, s7;
	s7 =	simm.s32 @!p0 $0x108  }
0x21: {  	s3 =	sadd.s32 s3, s9;
	s6 =	sadd.s32 @!p0 $0x88, s6;
	s7 =	simm.s32 @p2 $0x1082  }
0x22: {  	[simem:s7], [sflag:s8] =	dma.local @!p0 [hbm:s6], $0xF7A  }
0x23: {  	s9 =	sor.u32 $0xD0000000, s2;
	s6 =	simm.s32 $0x108;
	_ =	swait.ge @!p0 [sflag:s8], $0x0  }
0x24: {  	s3 =	sadd.s32 $0x88, s3;
	s6 =	simm.s32 @!p1 $0x1082;
	[sflag:s4] =	ssyncset.s32 $0xFFFFF086  }
0x25: {  	[simem:s6], [sflag:s4] =	dma.local [hbm:s3], $0xF7A  }
0x26: {  	[smem:$0x3F96] =	sst s1;
	(tag) =	ssettag s2;
	_ =	strace s9  }
0x27: {  	s1 =	sld [smem:$0x3FA6]  }
0x28: {  	s2 =	sld [smem:$0x3FA7]  }
0x29: {  	s4 =	sld [smem:$0x3FA9]  }
0x2a: {  	p0 =	seq.s32 s5, $0x0;
	s5 =	sld [smem:$0x3FAA]  }
0x2b: {  	s6 =	sld [smem:$0x3FAB]  }
0x2c: {  	s7 =	sld [smem:$0x3FAC]  }
0x2d: {  	s3 =	simm.s32 $0x108;
	s8 =	sld [smem:$0x3FAD]  }
0x2e: {  	s3 =	simm.s32 @!p0 $0x1082;
	s9 =	sld [smem:$0x3FAE]  }
0x2f: {  	lr =	sadd.s32 s0, s3;
	s0 =	sld [smem:$0x3FA5]  }
0x30: {  	s3 =	sld [smem:$0x3FA8]  }
0x31: {  	[smem:$0x3FB1] =	sst s10  }
0x32: {  	s10 =	sld [smem:$0x3FAF];
	_ =	sdelay $0x3  }
0x33: {  	p0 =	seq.s32 s10, $0x1;
	s10 =	sld [smem:$0x3FB1];
	_ =	sdelay $0x3  }
0x34: {  	[smem:$0x3FB1] =	sst s10  }
0x35: {  	s10 =	sld [smem:$0x3FB0];
	_ =	sdelay $0x3  }
0x36: {  	p1 =	seq.s32 s10, $0x1;
	s10 =	sld [smem:$0x3FB1];
	_ =	sdelay $0x3  }
0x37: {  	[smem:$0x3FB1] =	sst s10  }
0x38: {  	s10 =	sld [smem:$0x3FB2]  }
0x39: {  	_ = 	snop;
	(pc) =	sbr.ind lr, $3  }
0x3a: {  	_ = 	snop  }
0x3b: {  	_ = 	snop  }
0x3c: {  	p2 =	seq.s32 s10, $0x1;
	s10 =	sld [smem:$0x3FB1]  }
0x3d: {  	_ =	shalt  }
0x3e: {  	_ =	shalt  }
0x3f: {  	_ =	shalt  }
0x40: {  	_ =	shalt  }
0x41: {  	_ =	shalt  }
0x42: {  	_ =	shalt  }
0x43: {  	_ =	shalt  }
0x44: {  	_ =	shalt  }
0x45: {  	_ =	shalt  }
0x46: {  	_ =	shalt  }
0x47: {  	_ =	shalt  }
0x48: {  	_ =	shalt  }
0x49: {  	_ =	shalt  }
0x4a: {  	_ =	shalt  }
0x4b: {  	_ =	shalt  }
0x4c: {  	_ =	shalt  }
0x4d: {  	_ =	shalt  }
0x4e: {  	_ =	shalt  }
0x4f: {  	_ =	shalt  }
0x50: {  	_ =	shalt  }
0x51: {  	_ =	shalt  }
0x52: {  	_ =	shalt  }
0x53: {  	_ =	shalt  }
0x54: {  	_ =	shalt  }
0x55: {  	_ =	shalt  }
0x56: {  	_ =	shalt  }
0x57: {  	_ =	shalt  }
0x58: {  	_ =	shalt  }
0x59: {  	_ =	shalt  }
0x5a: {  	_ =	shalt  }
0x5b: {  	_ =	shalt  }
0x5c: {  	_ =	shalt  }
0x5d: {  	_ =	shalt  }
0x5e: {  	_ =	shalt  }
0x5f: {  	_ =	shalt  }
0x60: {  	_ =	shalt  }
0x61: {  	_ =	shalt  }
0x62: {  	_ =	shalt  }
0x63: {  	_ =	shalt  }
0x64: {  	_ =	shalt  }
0x65: {  	_ =	shalt  }
0x66: {  	_ =	shalt  }
0x67: {  	_ =	shalt  }
0x68: {  	_ =	shalt  }
0x69: {  	_ =	shalt  }
0x6a: {  	_ =	shalt  }
0x6b: {  	_ =	shalt  }
0x6c: {  	_ =	shalt  }
0x6d: {  	_ =	shalt  }
0x6e: {  	_ =	shalt  }
0x6f: {  	_ =	shalt  }
0x70: {  	_ =	shalt  }
0x71: {  	_ =	shalt  }
0x72: {  	_ =	shalt  }
0x73: {  	_ =	shalt  }
0x74: {  	_ =	shalt  }
0x75: {  	_ =	shalt  }
0x76: {  	_ =	shalt  }
0x77: {  	_ =	shalt  }
0x78: {  	_ =	shalt  }
0x79: {  	_ =	shalt  }
0x7a: {  	_ =	shalt  }
0x7b: {  	_ =	shalt  }
0x7c: {  	_ =	shalt  }
0x7d: {  	_ =	shalt  }
0x7e: {  	_ =	shalt  }
0x7f: {  	_ =	shalt  }
0x80: {  	_ =	shalt  }
0x81: {  	_ =	shalt  }
0x82: {  	_ =	shalt  }
0x83: {  	_ =	shalt  }
0x84: {  	_ =	shalt  }
0x85: {  	_ =	shalt  }
0x86: {  	_ =	shalt  }
0x87: {  	_ =	shalt  }
.Lfunc_end0:
.L_simem_size_0:
called_computation_lowered:
.L_overlay_start_0:
0x88: {  	s2 =	sld [smem:$0x3FD9]  }
0x89: {  	s3 =	sld [smem:$0x3FFE];
	_ =	sdelay $0x1  }
0x8a: {  	s1 =	srdreg.scid  }
0x8b: {  	s0 =	sand.u32 $0x1, s1  }
0x8c: {  	s17 =	sshll.u32 s0, $0xA;
	s2 =	sadd.s32 s3, s2  }
0x8d: {  	s2 =	sadd.s32 s2, s17  }
0x8e: {  	[smem:$0x3FBD] =	sst s2  }
0x8f: {  	_ = 	snop  }
0x90: {  	s2 =	sld [smem:$0x3FC7];
	(tm) =	ssettm $0x1  }
0x91: {  	s18 =	sld [smem:$0x3FFB];
	_ =	sdelay $0x3  }
0x92: {  	_ =	strace s18  }
0x93: {  	s3 =	sld [smem:$0x3FFC];
	_ =	sdelay $0x3  }
0x94: {  	_ =	strace s3  }
0x95: {  	s3 =	sld [smem:$0x3FFD];
	_ =	sdelay $0x3  }
0x96: {  	_ =	strace s3  }
0x97: {  	_ =	strace $0x8FFFFFFF  }
0x98: {  	s19 =	sld [smem:$0x3FDB];
	_ =	sdelay $0x1  }
0x99: {  	s4 =	simm.s32 $_scs_section_size  }
0x9a: {  	s5 =	simm.s32 $_size__tile_overlayer_lowered;
	s6 =	simm.s32 $_tile_overlayer_lowered  }
0x9b: {  	s22 =	simm.s32 $0x1BFF;
	s21 =	sshll.u32 s6, $0x1;
	s3 =	sadd.s32 s4, s19  }
0x9c: {  	s7 =	simm.s32 $0x0;
	s20 =	sshll.u32 s5, $0x1;
	s5 =	sadd.s32 s21, s3  }
0x9d: {  	[timem:s7], [sflag:s22] =	dma.local [hbm:s5], s20  }
0x9e: {  	_ =	swait.ge [sflag:s22], s20  }
0x9f: {  	s4 =	ssub.s32 $0x0, s20;
	[sflag:s22] =	ssyncset.done $0x0  }
0xa0: {  	[sflag:s22] =	ssyncadd.s32 s4;
	_ =	sdelay $0x1  }
0xa1: {  	s23 =	simm.s32 $0x1B8B  }
0xa2: {  	_ =	swait.ge [sflag:s23], $0x1  }
0xa3: {  	[sflag:s23] =	ssyncset.done $0x0  }
0xa4: {  	s25 =	simm.s32 $0x1B8E;
	s24 =	sld [smem:$0x3FFE];
	[sflag:s23] =	ssyncadd.s32 $0xFFFFFFFF  }
0xa5: {  	s26 =	simm.s32 $execute0_lowered;
	[smem:$0x3FD2] =	sst s25  }
0xa6: {  	s5 =	sshll.u32 s26, $0x1;
	_ =	strace $0x80000046;
	[dreg:$0x1] =	wrdreg $0xFFFFFFFF  }
0xa7: {  	s28 =	simm.s32 $_size_execute0_lowered;
	s3 =	sadd.s32 s3, s5;
	[dreg:$0x0] =	wrdreg $0x0  }
0xa8: {  	s5 =	sshll.u32 s28, $0x1;
	[dreg:$0x2] =	wrdreg s3  }
0xa9: {  	[dreg:$0x3] =	wrdreg s5  }
0xaa: {  	[dreg:$0x4] =	wrdreg $0xC0  }
0xab: {  	_ =	task [dreg:s7], $0x5FFFF  }
0xac: {  	[dreg:$0x1] =	wrdreg $0xFFFFFFFF  }
0xad: {  	[dreg:$0x0] =	wrdreg $0x60  }
0xae: {  	[dreg:$0x2] =	wrdreg s2  }
0xaf: {  	[dreg:$0x3] =	wrdreg s24  }
0xb0: {  	[dreg:$0x4] =	wrdreg $0x9  }
0xb1: {  	_ =	task.clear_ibuf [dreg:s7], $0x5FFFF;
	_ =	strace $0x90000046  }
0xb2: {  	s29 =	simm.s32 $0x9;
	_ =	strace $0x80000048  }
0xb3: {  	_ =	swait.ge [sflag:s29], $0x1  }
0xb4: {  	[sflag:s29] =	ssyncadd.s32 $0xFFFFFFFF  }
0xb5: {  	_ =	strace $0x90000048  }
0xb6: {  	_ =	sfence  }
0xb7: {  	s30 =	sld [smem:$0x0];
	_ =	sdelay $0x2  }
0xb8: {  	s31 =	sshll.u32 s1, $0xD;
	s1 =	sshrl.u32 s1, $0x2  }
0xb9: {  	s3 =	sand.u32 $0x4000, s31;
	s1 =	sadd.s32 s1, s30  }
0xba: {  	s0 =	sor.u32 s3, s0;
	s1 =	sshll.u32 s1, $0x11  }
0xbb: {  	s0 =	sor.u32 s1, s0  }
0xbc: {  	s0 =	sadd.s32 $0x8F2B, s0  }
0xbd: {  	[sflag:s0] =	ssyncadd.remote.s32 $0x1  }
0xbe: {  	_ =	sfence.sel $0xFFFF  }
0xbf: {  	[dreg:$0x0] =	wrdreg $0xFFFFFFFF;
	(pc) =	sbr.abs _section_cstart, $3  }
0xc0: {  	[dreg:$0x1] =	wrdreg $0xFFFFFFFF  }
0xc1: {  	_ =	task.clear_ibuf [dreg:s7], $0x2FFFF;
	_ =	strace $0x9FFFFFFF  }
0xc2: {  	(tm) =	ssettm $0x7FFFFFFF  }
0xc3: {  	_ =	shalt  }
tec
execute0_lowered:
.L_overlay_start_1:
0x0: {  	(tag) =	ssettag $0x1  }
0x1: {  	s1 =	srdreg.scid  }
0x2: {  	s0 =	stileid.u32;
	s10 =	sand.u32 $0x1, s1  }
0x3: {  	s2 =	rddreg [dreg:$0x0];
	s30 =	sshll.u32 s0, $0xB;
	s3 =	sshll.u32 s10, $0xA  }
0x4: {  	s9 =	rddreg [dreg:$0x1];
	s11 =	sor.u32 s3, s30  }
0x5: {  	s1 =	rddreg [dreg:$0x2];
	s3 =	simm.s32 $0x0;
	s4 =	sshrl.u32 s11, $0x3  }
0x6: {  	[smem:$0x7FF] =	sst s3;
	s4 =	sadd.s32 s4, s9  }
0x7: {  	_ =	strace $0x80000047;
	s5 =	sadd.s32 $0x1600, s4;
	s4 =	simm.s32 $0x2  }
0x8: {  	[tilespmem:s3], [sflag:$0x2] =	stream.linear.gather [hbm4b:s5+s3], $0x400, $0x38;
	[tilespmem:$0x10400] =	vst v63  }
0x9: {  	_ =	swait.ge [sflag:s4], $0x400  }
0xa: {  	s6 =	simm.s32 $0x200;
	[sflag:s4] =	ssyncset.done $0x0  }
0xb: {  	s7 =	simm.s32 $0x400;
	s8 =	simm.s32 $0x1;
	[sflag:s4] =	ssyncadd.s32 $0xFFFFFC00  }
0xc: {  	[tilespmem:s7], [sflag:$0x1] =	stream.indirect.gather [hbm4b:s2+s6], $0x80, s3, s6, $0xb8;
	[tilespmem:$0x10400] =	vst v63  }
0xd: {  	s11 =	sshll.u32 s11, $0x4;
	_ =	swait.ge [sflag:s8], $0x10000  }
0xe: {  	s11 =	sadd.s32 s11, s9;
	[sflag:s8] =	ssyncset.done $0x0  }
0xf: {  	s10 =	ssub.s32 $0x2, s10;
	s9 =	sadd.s32 $0x2600, s11;
	[sflag:s8] =	ssyncadd.s32 $0xFFFF0000  }
0x10: {  	[hbm4b:s9+s3] =	stream.linear.scatter [tilespmem:s7], [sflag:$0x2], $0x10000, $0x38;
	[tilespmem:$0x10400] =	vst v63  }
0x11: {  	s12 =	sshrl.u32 s10, $0x1;
	_ =	swait.ge [sflag:s4], $0x10000  }
0x12: {  	s12 =	ssub.s32 s10, s12;
	[sflag:s4] =	ssyncset.done $0x0  }
0x13: {  	s31 =	smax.u32 s12, $0x1;
	[sflag:s4] =	ssyncadd.s32 $0xFFFF0000  }
0x14: {  	[tilespmem:s7], [sflag:$0x1] =	stream.indirect.gather [hbm4b:s2+s6], $0x80, s6, s6, $0xb8;
	[tilespmem:$0x10400] =	vst v63  }
0x15: {  	p0 =	sne.s32 s31, $0x1;
	_ =	swait.ge [sflag:s8], $0x10000  }
.Ltmp0:
0x16: {  	[sflag:s8] =	ssyncset.done $0x0;
	(pc) =	sbr.rel @!p0 .LBB2_2-.Ltmp0, $4  }
0x17: {  	s10 =	sadd.s32 $0x4600, s11;
	[sflag:s8] =	ssyncadd.s32 $0xFFFF0000  }
0x18: {  	[hbm4b:s10+s3] =	stream.linear.scatter [tilespmem:s7], [sflag:$0x2], $0x10000, $0x38;
	[tilespmem:$0x10400] =	vst v63  }
0x19: {  	_ =	swait.ge [sflag:s4], $0x10000  }
0x1a: {  	s11 =	sadd.s32 $0xFFFFFFFF, s31;
	[sflag:s4] =	ssyncset.done $0x0  }
.LBB2_1:
0x1b: {  	p0 =	sne.s32 s11, $0x1;
	s11 =	sadd.s32 $0xFFFFFFFF, s11;
	[sflag:s4] =	ssyncadd.s32 $0xFFFF0000  }
0x1c: {  	[tilespmem:s3], [sflag:$0x2] =	stream.linear.gather [hbm4b:s5+s3], $0x400, $0x38;
	[tilespmem:$0x10400] =	vst v63  }
0x1d: {  	_ =	swait.ge [sflag:s4], $0x400  }
0x1e: {  	[sflag:s4] =	ssyncset.done $0x0  }
0x1f: {  	[sflag:s4] =	ssyncadd.s32 $0xFFFFFC00  }
0x20: {  	[tilespmem:s7], [sflag:$0x1] =	stream.indirect.gather [hbm4b:s2+s6], $0x80, s3, s6, $0xb8;
	[tilespmem:$0x10400] =	vst v63  }
0x21: {  	_ =	swait.ge [sflag:s8], $0x10000  }
0x22: {  	[sflag:s8] =	ssyncset.done $0x0  }
0x23: {  	[sflag:s8] =	ssyncadd.s32 $0xFFFF0000  }
0x24: {  	[hbm4b:s9+s3] =	stream.linear.scatter [tilespmem:s7], [sflag:$0x2], $0x10000, $0x38;
	[tilespmem:$0x10400] =	vst v63  }
0x25: {  	_ =	swait.ge [sflag:s4], $0x10000  }
0x26: {  	[sflag:s4] =	ssyncset.done $0x0  }
0x27: {  	[sflag:s4] =	ssyncadd.s32 $0xFFFF0000  }
0x28: {  	[tilespmem:s7], [sflag:$0x1] =	stream.indirect.gather [hbm4b:s2+s6], $0x80, s6, s6, $0xb8;
	[tilespmem:$0x10400] =	vst v63  }
0x29: {  	_ =	swait.ge [sflag:s8], $0x10000  }
.Ltmp1:
0x2a: {  	[sflag:s8] =	ssyncset.done $0x0;
	(pc) =	sbr.rel @p0 .LBB2_1-.Ltmp1, $4  }
0x2b: {  	[sflag:s8] =	ssyncadd.s32 $0xFFFF0000  }
0x2c: {  	[hbm4b:s10+s3] =	stream.linear.scatter [tilespmem:s7], [sflag:$0x2], $0x10000, $0x38;
	[tilespmem:$0x10400] =	vst v63  }
0x2d: {  	_ =	swait.ge [sflag:s4], $0x10000  }
0x2e: {  	[sflag:s4] =	ssyncset.done $0x0  }
.LBB2_2:
0x2f: {  	[sflag:s4] =	ssyncadd.s32 $0xFFFF0000  }
0x30: {  	_ =	sfence.sel $0x180000  }
0x31: {  	[bflag:$0x0] =	sbarrier.arrive $0xFFFF  }
0x32: {  	p0 =	sne.s32 s0, $0x0;
	_ =	strace $0x90000047  }
0x33: {  	s0 =	sadd.s32 @!p0 $0x100000, s1;
	[bflag:$0x2] =	sbarrier.arrive $0xFFFF  }
0x34: {  	[sflag:s0] =	ssyncadd.tile.s32 @!p0 $0x1;
	_ =	shalt  }
.Lfunc_end2:
_tile_overlayer_lowered:
.L_overlay_start_2:
0x35: {  	(tag) =	ssettag $0x2  }
0x36: {  	s0 =	rddreg [dreg:$0x0];
	s2 =	stileid.u32  }
0x37: {  	s1 =	rddreg [dreg:$0x1];
	p0 =	sne.s32 s2, $0x0  }
0x38: {  	s3 =	rddreg [dreg:$0x2];
	[bflag:$0x3] =	sbarrier.arrive $0xFFFF;
	s2 =	simm.s32 @!p0 $0x1C02  }
0x39: {  	[timem:s3], [sflag:s2] =	dma.local @!p0 [hbm:s0], s1  }
0x3a: {  	s0 =	simm.s32 @!p0 $0x2  }
0x3b: {  	_ =	swait.ge @!p0 [sflag:s0], s1  }
0x3c: {  	s1 =	ssub.s32 @!p0 $0x0, s1;
	[sflag:s0] =	ssyncset.done @!p0 $0x0  }
0x3d: {  	[sflag:s0] =	ssyncadd.s32 @!p0 s1  }
0x3e: {  	[bflag:$0x3] =	sbarrier.arrive $0xFFFF  }
0x3f: {  	_ =	shalt  }

</sc_bundles>
